<compile_context>
chip_gen: v7x
topology: tpu7x:2x2x1
jax: 0.10.2.dev20260603
libtpu: 0.0.44.dev20260713+nightly
codegen_flags: <defaults>
</compile_context>

<pallas_src>
import jax
import jax.numpy as jnp
from jax import lax
from jax.experimental import pallas as pl
from jax.experimental.pallas import tpu as pltpu
from jax.experimental.pallas import tpu_sc as plsc

N = 10000
E = 320000
H = 128
C = 40
NC, NS = 2, 16
K = 125
EB = E // K
RPT = EB // (NC * NS)
NPAD = 10240
NPT = NPAD // NS
NPH = 2
PH = RPT // NPH
KR = 128
BLK = 2000
_F32 = jnp.float32



_MESH = plsc.VectorSubcoreMesh(
    core_axis_name="c", subcore_axis_name="s", num_cores=NC, num_subcores=NS)


def _sc_count_body(dst_hbm, ones_hbm, zeros_hbm, cnt_out, didx_v, ones_v, cacc):
    c = lax.axis_index("c")
    s = lax.axis_index("s")
    wid = c * NS + s
    pltpu.sync_copy(zeros_hbm, cacc.at[pl.ds(s * NPT, NPT)])
    pltpu.sync_copy(dst_hbm.at[pl.ds(wid * RPT, RPT)], didx_v)
    pltpu.sync_copy(ones_hbm, ones_v)
    plsc.subcore_barrier()

    def body(j, carry):
        pltpu.sync_copy(ones_v, cacc.at[didx_v.at[j]], add=True)
        return carry

    lax.fori_loop(0, RPT, body, 0)
    plsc.subcore_barrier()
    pltpu.sync_copy(cacc.at[pl.ds(s * NPT, NPT)],
                    cnt_out.at[c].at[pl.ds(s * NPT, NPT)])


@jax.jit
def _sc_count(dst2d, ones_c, zeros_c):
    return pl.kernel(
        _sc_count_body,
        out_type=jax.ShapeDtypeStruct((NC, NPAD), _F32),
        mesh=_MESH,
        scratch_types=[
            pltpu.VMEM((RPT, K), jnp.int32),
            pltpu.VMEM((K,), _F32),
            pltpu.VMEM_SHARED((NPAD,), _F32),
        ],
    )(dst2d, ones_c, zeros_c)


def _sc_scatter_body(tab_hbm, src_hbm, dst_hbm, acc_out,
                     sidx_v, didx_v, rows0_v, rows1_v, sem0, sem1, sacc):
    c = lax.axis_index("c")
    s = lax.axis_index("s")
    wid = c * NS + s

    base = wid * RPT
    pltpu.sync_copy(src_hbm.at[pl.ds(base, PH)], sidx_v)
    pltpu.sync_copy(dst_hbm.at[pl.ds(base, PH)], didx_v)
    pltpu.async_copy(tab_hbm.at[sidx_v.at[0]], rows0_v.at[pl.ds(0, K)], sem0)

    zvec = jnp.zeros((16,), _F32)

    def zbody(i, carry):
        for l in range(8):
            rows1_v[i, pl.ds(l * 16, 16)] = zvec
        return carry

    lax.fori_loop(0, KR, zbody, 0)
    for r in range(NPT // KR):
        pltpu.sync_copy(rows1_v, sacc.at[pl.ds(s * NPT + r * KR, KR)])
    plsc.subcore_barrier()

    for q in range(NPH):
        if q > 0:
            pltpu.sync_copy(src_hbm.at[pl.ds(base + q * PH, PH)], sidx_v)
            pltpu.sync_copy(dst_hbm.at[pl.ds(base + q * PH, PH)], didx_v)
            pltpu.async_copy(
                tab_hbm.at[sidx_v.at[0]], rows0_v.at[pl.ds(0, K)], sem0)

        def body(p, carry):
            j0 = p * 2
            pltpu.make_async_copy(
                tab_hbm.at[sidx_v.at[j0]], rows0_v.at[pl.ds(0, K)],
                sem0).wait()
            pltpu.async_copy(
                tab_hbm.at[sidx_v.at[j0 + 1]], rows1_v.at[pl.ds(0, K)], sem1)
            pltpu.sync_copy(
                rows0_v.at[pl.ds(0, K)], sacc.at[didx_v.at[j0]], add=True)
            pltpu.make_async_copy(
                tab_hbm.at[sidx_v.at[j0 + 1]], rows1_v.at[pl.ds(0, K)],
                sem1).wait()

            @pl.when(p + 1 < PH // 2)
            def _():
                pltpu.async_copy(
                    tab_hbm.at[sidx_v.at[j0 + 2]], rows0_v.at[pl.ds(0, K)],
                    sem0)

            pltpu.sync_copy(
                rows1_v.at[pl.ds(0, K)], sacc.at[didx_v.at[j0 + 1]], add=True)
            return carry

        lax.fori_loop(0, PH // 2, body, 0)
    plsc.subcore_barrier()
    pltpu.sync_copy(sacc.at[pl.ds(s * NPT, NPT)],
                    acc_out.at[c].at[pl.ds(s * NPT, NPT)])


@jax.jit
def _sc_scatter(tab, src2d, dst2d):
    return pl.kernel(
        _sc_scatter_body,
        out_type=jax.ShapeDtypeStruct((NC, NPAD, H), _F32),
        mesh=_MESH,
        scratch_types=[
            pltpu.VMEM((PH, K), jnp.int32),
            pltpu.VMEM((PH, K), jnp.int32),
            pltpu.VMEM((KR, H), _F32),
            pltpu.VMEM((KR, H), _F32),
            pltpu.SemaphoreType.DMA,
            pltpu.SemaphoreType.DMA,
            pltpu.VMEM_SHARED((NPAD, H), _F32),
        ],
    )(tab, src2d, dst2d)



DW = 8


def _scale_body(x_ref, wp_ref, bp_ref, w1_ref, cnt_ref, tab_ref, dinv_ref):
    h = jnp.dot(x_ref[...], wp_ref[...], preferred_element_type=_F32)
    h = h + bp_ref[...]
    xw = jnp.dot(h, w1_ref[...], preferred_element_type=_F32)
    deg = cnt_ref[:, 0:1] + cnt_ref[:, 1:2] + 1.0
    dinv = lax.rsqrt(deg)
    tab_ref[...] = dinv * xw
    dinv_ref[...] = jnp.broadcast_to(dinv, (BLK, DW))


@jax.jit
def _tc_scale(x, W_pre, b_pre, W1, cnt):
    return pl.pallas_call(
        _scale_body,
        grid=(N // BLK,),
        in_specs=[
            pl.BlockSpec((BLK, H), lambda i: (i, 0)),
            pl.BlockSpec((H, H), lambda i: (0, 0)),
            pl.BlockSpec((1, H), lambda i: (0, 0)),
            pl.BlockSpec((H, H), lambda i: (0, 0)),
            pl.BlockSpec((BLK, NC), lambda i: (i, 0)),
        ],
        out_specs=[
            pl.BlockSpec((BLK, H), lambda i: (i, 0)),
            pl.BlockSpec((BLK, DW), lambda i: (i, 0)),
        ],
        out_shape=[
            jax.ShapeDtypeStruct((N, H), _F32),
            jax.ShapeDtypeStruct((N, DW), _F32),
        ],
    )(x, W_pre, b_pre, W1, cnt)


def _layer_body(acc_ref, tab_ref, dinv_ref, w_ref, b_ref, out_ref):
    dinv = dinv_ref[:, 0:1]
    agg = acc_ref[0] + acc_ref[1] + tab_ref[...]
    h = jnp.maximum(dinv * agg + b_ref[...], 0.0)
    xw = jnp.dot(h, w_ref[...], preferred_element_type=_F32)
    out_ref[...] = dinv * xw


@jax.jit
def _tc_layer(acc, tab, dinv8, W, b):
    return pl.pallas_call(
        _layer_body,
        grid=(N // BLK,),
        in_specs=[
            pl.BlockSpec((NC, BLK, H), lambda i: (0, i, 0)),
            pl.BlockSpec((BLK, H), lambda i: (i, 0)),
            pl.BlockSpec((BLK, DW), lambda i: (i, 0)),
            pl.BlockSpec((H, H), lambda i: (0, 0)),
            pl.BlockSpec((1, H), lambda i: (0, 0)),
        ],
        out_specs=pl.BlockSpec((BLK, H), lambda i: (i, 0)),
        out_shape=jax.ShapeDtypeStruct((N, H), _F32),
    )(acc, tab, dinv8, W, b)


def _final_body(acc_ref, tab_ref, dinv_ref, b2_ref, wpost_ref, bpost_ref, out_ref):
    dinv = dinv_ref[:, 0:1]
    agg = acc_ref[0] + acc_ref[1] + tab_ref[...]
    h = jnp.maximum(dinv * agg + b2_ref[...], 0.0)
    out_ref[...] = jnp.dot(h, wpost_ref[...],
                           preferred_element_type=_F32) + bpost_ref[...]


@jax.jit
def _tc_final(acc, tab, dinv8, b2, W_post, b_post):
    return pl.pallas_call(
        _final_body,
        grid=(N // BLK,),
        in_specs=[
            pl.BlockSpec((NC, BLK, H), lambda i: (0, i, 0)),
            pl.BlockSpec((BLK, H), lambda i: (i, 0)),
            pl.BlockSpec((BLK, DW), lambda i: (i, 0)),
            pl.BlockSpec((1, H), lambda i: (0, 0)),
            pl.BlockSpec((H, C), lambda i: (0, 0)),
            pl.BlockSpec((1, C), lambda i: (0, 0)),
        ],
        out_specs=pl.BlockSpec((BLK, C), lambda i: (i, 0)),
        out_shape=jax.ShapeDtypeStruct((N, C), _F32),
    )(acc, tab, dinv8, b2, W_post, b_post)



def kernel(x, edge_index, W_pre, b_pre, W1, b1, W2, b2, W_post, b_post):
    src2d = edge_index[0].reshape(EB, K)
    dst2d = edge_index[1].reshape(EB, K)
    ones_c = jnp.ones((K,), _F32)
    zeros_c = jnp.zeros((NPT,), _F32)

    cnt = _sc_count(dst2d, ones_c, zeros_c)
    tab1, dinv8 = _tc_scale(x, W_pre, b_pre.reshape(1, H), W1, cnt.T)
    acc1 = _sc_scatter(tab1, src2d, dst2d)
    tab2 = _tc_layer(acc1, tab1, dinv8, W2, b1.reshape(1, H))
    acc2 = _sc_scatter(tab2, src2d, dst2d)
    return _tc_final(acc2, tab2, dinv8, b2.reshape(1, H),
                     W_post, b_post.reshape(1, C))

# --- scband reference (transcript-rebuilt; emitter-appended) ---
"""Pipeline reference for scband-gnnbuild-with-architecture-23201413333126 (READ-ONLY COPY).

The authoritative reference and input builder live on the scoring server;
editing this copy changes nothing except your own understanding.
"""

import jax, jax.numpy as jnp
import numpy as np

N = 10000
E = 320000
D_IN = 128
H = 128
C = 40


def setup_inputs(seed: int = 0) -> dict:
    key = jax.random.key(seed)
    ks = jax.random.split(key, 12)
    x = jax.random.normal(ks[0], (N, D_IN), dtype=jnp.float32)
    edge_index = jax.random.randint(ks[1], (2, E), 0, N, dtype=jnp.int32)
    s = 0.05
    W_pre = jax.random.normal(ks[2], (D_IN, H), dtype=jnp.float32) * s
    b_pre = jnp.zeros((H,), dtype=jnp.float32)
    W1 = jax.random.normal(ks[3], (H, H), dtype=jnp.float32) * s
    b1 = jnp.zeros((H,), dtype=jnp.float32)
    W2 = jax.random.normal(ks[4], (H, H), dtype=jnp.float32) * s
    b2 = jnp.zeros((H,), dtype=jnp.float32)
    W_post = jax.random.normal(ks[5], (H, C), dtype=jnp.float32) * s
    b_post = jnp.zeros((C,), dtype=jnp.float32)
    return {"x": x, "edge_index": edge_index, "W_pre": W_pre, "b_pre": b_pre,
            "W1": W1, "b1": b1, "W2": W2, "b2": b2,
            "W_post": W_post, "b_post": b_post}


def _gcn_conv(x, src, dst, W, b):
    # GCNConv with self-loops and symmetric normalization: D^-1/2 (A+I) D^-1/2 X W + b
    loops = jnp.arange(N, dtype=src.dtype)
    s = jnp.concatenate([src, loops])
    d = jnp.concatenate([dst, loops])
    deg = jnp.zeros((N,), x.dtype).at[d].add(1.0)
    dinv = jnp.where(deg > 0, 1.0 / jnp.sqrt(deg), 0.0)
    norm = dinv[s] * dinv[d]
    xw = x @ W
    msg = xw[s] * norm[:, None]
    out = jnp.zeros((N, xw.shape[1]), x.dtype).at[d].add(msg)
    return out + b


def reference(x, edge_index, W_pre, b_pre, W1, b1, W2, b2, W_post, b_post):
    src = edge_index[0]
    dst = edge_index[1]
    h = x @ W_pre + b_pre            # pre_process_mlp
    h = _gcn_conv(h, src, dst, W1, b1)  # layer1_conv (gcn)
    h = jax.nn.relu(h)               # layer1_act
    h = _gcn_conv(h, src, dst, W2, b2)  # layer2_conv (gcn)
    h = jax.nn.relu(h)               # layer2_act
    out = h @ W_post + b_post        # post_process_mlp
    return out

if __name__ == "__main__":
    import jax
    _d = setup_inputs()
    print(jax.jit(kernel)(*tuple(_d.values())))

</pallas_src>

<mosaic_0001>
#map = affine_map<(d0, d1) -> (0, 0)>
#map1 = affine_map<(d0, d1) -> (0)>
module attributes {stable_mosaic.version = 14 : i64} {
  func.func @_sc_count_body(%arg0: i32, %arg1: i32, %arg2: memref<2560x125xi32, #tpu.memory_space<hbm>>, %arg3: memref<125xf32, #tpu.memory_space<hbm>>, %arg4: memref<640xf32, #tpu.memory_space<hbm>>, %arg5: memref<2x10240xf32, #tpu.memory_space<hbm>>, %arg6: memref<80x125xi32, #tpu.memory_space<vmem>>, %arg7: memref<125xf32, #tpu.memory_space<vmem>>, %arg8: memref<10240xf32, #tpu.memory_space<vmem_shared>>) attributes {dimension_semantics = [#tpu.dimension_semantics<core_parallel>, #tpu.dimension_semantics<subcore_parallel>], iteration_bounds = array<i64: 2, 16>, scalar_prefetch = 0 : i64, scratch_operands = 3 : i64, tpu.core_type = #tpu.core_type<sc_vector_subcore>, window_params = [{transform_indices = #map}, {transform_indices = #map1}, {transform_indices = #map1}, {transform_indices = #map}]} {
    %mul3A = arith.constant 16 : i32
    %mul3A_0 = arith.muli %arg0, %mul3A : i32
    %add3A = arith.addi %mul3A_0, %arg1 : i32
    %mul3A_1 = arith.constant 640 : i32
    %mul3A_2 = arith.muli %arg1, %mul3A_1 : i32
    "tpu.region"() ({
      %run_scoped3A = tpu.sem_alloc : memref<!tpu.dma_semaphore, #tpu.memory_space<semaphore_mem>>
      %dma_start3A = tpu.memref_slice %arg8[%mul3A_2] : memref<10240xf32, #tpu.memory_space<vmem_shared>> -> memref<640xf32, #tpu.memory_space<vmem_shared>>
      tpu.enqueue_dma source(%arg4 : memref<640xf32, #tpu.memory_space<hbm>>) target(%dma_start3A : memref<640xf32, #tpu.memory_space<vmem_shared>>) target_semaphore(%run_scoped3A : memref<!tpu.dma_semaphore, #tpu.memory_space<semaphore_mem>>)
      %dma_wait3A = tpu.memref_slice %arg8[%mul3A_2] : memref<10240xf32, #tpu.memory_space<vmem_shared>> -> memref<640xf32, #tpu.memory_space<vmem_shared>>
      tpu.wait_dma2 semaphore(%run_scoped3A : memref<!tpu.dma_semaphore, #tpu.memory_space<semaphore_mem>>) src(%arg4 : memref<640xf32, #tpu.memory_space<hbm>>) dst(%dma_wait3A : memref<640xf32, #tpu.memory_space<vmem_shared>>)
      tpu.yield
    }) : () -> ()
    %mul3A_3 = arith.constant 80 : i32
    %mul3A_4 = arith.muli %add3A, %mul3A_3 : i32
    "tpu.region"() ({
      %run_scoped3A = tpu.sem_alloc : memref<!tpu.dma_semaphore, #tpu.memory_space<semaphore_mem>>
      %dma_start3A = arith.constant 0 : i32
      %dma_start3A_15 = tpu.memref_slice %arg2[%mul3A_4, %dma_start3A] : memref<2560x125xi32, #tpu.memory_space<hbm>> -> memref<80x125xi32, #tpu.memory_space<hbm>>
      %dma_start3A_16 = arith.constant 0 : i32
      %dma_start3A_17 = tpu.memref_slice %arg2[%mul3A_4, %dma_start3A_16] : memref<2560x125xi32, #tpu.memory_space<hbm>> -> memref<80x125xi32, #tpu.memory_space<hbm>>
      tpu.enqueue_dma source(%dma_start3A_17 : memref<80x125xi32, #tpu.memory_space<hbm>>) target(%arg6 : memref<80x125xi32, #tpu.memory_space<vmem>>) target_semaphore(%run_scoped3A : memref<!tpu.dma_semaphore, #tpu.memory_space<semaphore_mem>>)
      %dma_wait3A = arith.constant 0 : i32
      %dma_wait3A_18 = tpu.memref_slice %arg2[%mul3A_4, %dma_wait3A] : memref<2560x125xi32, #tpu.memory_space<hbm>> -> memref<80x125xi32, #tpu.memory_space<hbm>>
      %dma_wait3A_19 = arith.constant 0 : i32
      %dma_wait3A_20 = tpu.memref_slice %arg2[%mul3A_4, %dma_wait3A_19] : memref<2560x125xi32, #tpu.memory_space<hbm>> -> memref<80x125xi32, #tpu.memory_space<hbm>>
      tpu.wait_dma2 semaphore(%run_scoped3A : memref<!tpu.dma_semaphore, #tpu.memory_space<semaphore_mem>>) src(%dma_wait3A_20 : memref<80x125xi32, #tpu.memory_space<hbm>>) dst(%arg6 : memref<80x125xi32, #tpu.memory_space<vmem>>)
      tpu.yield
    }) : () -> ()
    "tpu.region"() ({
      %run_scoped3A = tpu.sem_alloc : memref<!tpu.dma_semaphore, #tpu.memory_space<semaphore_mem>>
      tpu.enqueue_dma source(%arg3 : memref<125xf32, #tpu.memory_space<hbm>>) target(%arg7 : memref<125xf32, #tpu.memory_space<vmem>>) target_semaphore(%run_scoped3A : memref<!tpu.dma_semaphore, #tpu.memory_space<semaphore_mem>>)
      tpu.wait_dma2 semaphore(%run_scoped3A : memref<!tpu.dma_semaphore, #tpu.memory_space<semaphore_mem>>) src(%arg3 : memref<125xf32, #tpu.memory_space<hbm>>) dst(%arg7 : memref<125xf32, #tpu.memory_space<vmem>>)
      tpu.yield
    }) : () -> ()
    %barrier3A = arith.constant 0 : index
    tpu.barrier barrier_id(%barrier3A)
    %scan3A = arith.constant 0 : i32
    %scan3A_5 = arith.constant 0 : i32
    %scan3A_6 = arith.constant 80 : i32
    %scan3A_7 = arith.addi %scan3A_5, %scan3A_6 : i32
    %scan3A_8 = arith.constant 1 : i32
    scf.for %scan3A_15 = %scan3A_5 to %scan3A_7 step %scan3A_8  : i32 {
      "tpu.region"() ({
        %run_scoped3A = tpu.sem_alloc : memref<!tpu.dma_semaphore, #tpu.memory_space<semaphore_mem>>
        %dma_start3A = arith.constant 0 : i32
        %dma_start3A_16 = tpu.memref_slice %arg6[%scan3A_15, %dma_start3A] : memref<80x125xi32, #tpu.memory_space<vmem>> -> memref<1x125xi32, #tpu.memory_space<vmem>>
        %dma_start3A_17 = tpu.memref_squeeze %dma_start3A_16 : memref<1x125xi32, #tpu.memory_space<vmem>> -> memref<125xi32, #tpu.memory_space<vmem>>
        %dma_start3A_18 = arith.constant 0 : i32
        %dma_start3A_19 = tpu.memref_slice %arg8[%dma_start3A_18] : memref<10240xf32, #tpu.memory_space<vmem_shared>> -> memref<10240xf32, #tpu.memory_space<vmem_shared>>
        tpu.enqueue_indirect_dma source(%arg7 : memref<125xf32, #tpu.memory_space<vmem>>) target(%dma_start3A_19 : memref<10240xf32, #tpu.memory_space<vmem_shared>>) offsets(%dma_start3A_17 : memref<125xi32, #tpu.memory_space<vmem>>) semaphore(%run_scoped3A : memref<!tpu.dma_semaphore, #tpu.memory_space<semaphore_mem>>) {add = true}
        %dma_wait3A = arith.constant 0 : i32
        %dma_wait3A_20 = tpu.memref_slice %arg6[%scan3A_15, %dma_wait3A] : memref<80x125xi32, #tpu.memory_space<vmem>> -> memref<1x125xi32, #tpu.memory_space<vmem>>
        %dma_wait3A_21 = tpu.memref_squeeze %dma_wait3A_20 : memref<1x125xi32, #tpu.memory_space<vmem>> -> memref<125xi32, #tpu.memory_space<vmem>>
        %dma_wait3A_22 = arith.constant 0 : i32
        %dma_wait3A_23 = tpu.memref_slice %arg8[%dma_wait3A_22] : memref<10240xf32, #tpu.memory_space<vmem_shared>> -> memref<10240xf32, #tpu.memory_space<vmem_shared>>
        tpu.wait_indirect_dma semaphore(%run_scoped3A : memref<!tpu.dma_semaphore, #tpu.memory_space<semaphore_mem>>) src(%arg7 : memref<125xf32, #tpu.memory_space<vmem>>) dst(%dma_wait3A_23 : memref<10240xf32, #tpu.memory_space<vmem_shared>>)
        tpu.yield
      }) : () -> ()
    }
    %scan3A_9 = arith.constant 80 : i32
    %barrier3A_10 = arith.constant 0 : index
    tpu.barrier barrier_id(%barrier3A_10)
    %mul3A_11 = arith.constant 640 : i32
    %mul3A_12 = arith.muli %arg1, %mul3A_11 : i32
    %mul3A_13 = arith.constant 640 : i32
    %mul3A_14 = arith.muli %arg1, %mul3A_13 : i32
    "tpu.region"() ({
      %run_scoped3A = tpu.sem_alloc : memref<!tpu.dma_semaphore, #tpu.memory_space<semaphore_mem>>
      %dma_start3A = arith.constant 0 : i32
      %dma_start3A_15 = tpu.memref_slice %arg5[%arg0, %dma_start3A] : memref<2x10240xf32, #tpu.memory_space<hbm>> -> memref<1x10240xf32, #tpu.memory_space<hbm>>
      %dma_start3A_16 = tpu.memref_squeeze %dma_start3A_15 : memref<1x10240xf32, #tpu.memory_space<hbm>> -> memref<10240xf32, #tpu.memory_space<hbm>>
      %dma_start3A_17 = tpu.memref_slice %dma_start3A_16[%mul3A_14] : memref<10240xf32, #tpu.memory_space<hbm>> -> memref<640xf32, #tpu.memory_space<hbm>>
      %dma_start3A_18 = tpu.memref_slice %arg8[%mul3A_12] : memref<10240xf32, #tpu.memory_space<vmem_shared>> -> memref<640xf32, #tpu.memory_space<vmem_shared>>
      tpu.enqueue_dma source(%dma_start3A_18 : memref<640xf32, #tpu.memory_space<vmem_shared>>) target(%dma_start3A_17 : memref<640xf32, #tpu.memory_space<hbm>>) target_semaphore(%run_scoped3A : memref<!tpu.dma_semaphore, #tpu.memory_space<semaphore_mem>>)
      %dma_wait3A = arith.constant 0 : i32
      %dma_wait3A_19 = tpu.memref_slice %arg5[%arg0, %dma_wait3A] : memref<2x10240xf32, #tpu.memory_space<hbm>> -> memref<1x10240xf32, #tpu.memory_space<hbm>>
      %dma_wait3A_20 = tpu.memref_squeeze %dma_wait3A_19 : memref<1x10240xf32, #tpu.memory_space<hbm>> -> memref<10240xf32, #tpu.memory_space<hbm>>
      %dma_wait3A_21 = tpu.memref_slice %dma_wait3A_20[%mul3A_14] : memref<10240xf32, #tpu.memory_space<hbm>> -> memref<640xf32, #tpu.memory_space<hbm>>
      %dma_wait3A_22 = tpu.memref_slice %arg8[%mul3A_12] : memref<10240xf32, #tpu.memory_space<vmem_shared>> -> memref<640xf32, #tpu.memory_space<vmem_shared>>
      tpu.wait_dma2 semaphore(%run_scoped3A : memref<!tpu.dma_semaphore, #tpu.memory_space<semaphore_mem>>) src(%dma_wait3A_22 : memref<640xf32, #tpu.memory_space<vmem_shared>>) dst(%dma_wait3A_21 : memref<640xf32, #tpu.memory_space<hbm>>)
      tpu.yield
    }) : () -> ()
    return
  }
}

</mosaic_0001>

<sc_bundles>
// kernel: _sc_count.3.cloned.1.call-start
scs
__scs_entry_jumppad:
0x0: {  	(pc) =	sbr.rel $0x88, $3  }
0x1: {  	(tag) =	ssettag $0x0;
	lr =	simm.s32 $0x1  }
0x2: {  	[smem:$0x3F9E] =	sst lr;
	_ =	strace $0xD0000000  }
0x3: {  	_ = 	snop  }
0x4: {  	_ = 	snop  }
0x5: {  	_ = 	snop  }
0x6: {  	_ = 	snop  }
0x7: {  	_ = 	snop  }
__scs_overlays_trampoline_lowered:
0x8: {  	[smem:$0x3FAD] =	sst s0  }
0x9: {  	[smem:$0x3FAE] =	sst s1  }
0xa: {  	[smem:$0x3FAF] =	sst s2  }
0xb: {  	[smem:$0x3FB0] =	sst s3  }
0xc: {  	[smem:$0x3FB1] =	sst s4  }
0xd: {  	[smem:$0x3FB2] =	sst s5  }
0xe: {  	[smem:$0x3FB3] =	sst s6  }
0xf: {  	[smem:$0x3FB4] =	sst s7  }
0x10: {  	[smem:$0x3FB5] =	sst s8  }
0x11: {  	[smem:$0x3FB6] =	sst s9;
	s0 =	simm.s32 @!p0 $0x0  }
0x12: {  	s1 =	sld [smem:$0x3F9C];
	s0 =	simm.s32 @p0 $0x1  }
0x13: {  	[smem:$0x3FB7] =	sst s0;
	s0 =	simm.s32 @!p1 $0x0  }
0x14: {  	s2 =	sld [smem:$0x3F9B];
	s0 =	simm.s32 @p1 $0x1  }
0x15: {  	[smem:$0x3FB8] =	sst s0;
	s0 =	simm.s32 @!p2 $0x0  }
0x16: {  	s3 =	sld [smem:$0x3FDB];
	s0 =	simm.s32 @p2 $0x1  }
0x17: {  	s4 =	simm.s32 $0x1BF5;
	[smem:$0x3FBA] =	sst s0  }
0x18: {  	s0 =	sld [smem:$0x3F9D];
	_ =	swait.ge [sflag:s4], $0x0  }
0x19: {  	s7 =	sld [smem:$0x3F9E]  }
0x1a: {  	s8 =	sadd.s32 $0xFFFFE003, lr  }
0x1b: {  	s9 =	sadd.s32 $0xFFFFFEF7, lr;
	s5 =	simm.s32 $0xFFFFFFFF;
	p2 =	slt.u32 s8, $0xFFFFF086  }
0x1c: {  	p1 =	slt.u32 s9, $0xF7A;
	s5 =	simm.s32 @!p2 $0x0  }
0x1d: {  	s5 =	simm.s32 @p1 $0x1;
	p0 =	seq.s32 s7, s2  }
0x1e: {  	s7 =	smul.u32 @!p0 $0xF7A, s2;
	p2 =	seq.s32 @!p0 s5, $0x0  }
0x1f: {  	s9 =	smul.u32 $0xF7A, s1;
	s8 =	simm.s32 @!p0 $0x1BF5;
	p2 =	por !p2, p0  }
0x20: {  	[sflag:s8] =	ssyncset.s32 @!p0 $0xFFFFF086;
	s6 =	sadd.s32 @!p0 s3, s7;
	s7 =	simm.s32 @!p0 $0x108  }
0x21: {  	s3 =	sadd.s32 s3, s9;
	s6 =	sadd.s32 @!p0 $0x88, s6;
	s7 =	simm.s32 @p2 $0x1082  }
0x22: {  	[simem:s7], [sflag:s8] =	dma.local @!p0 [hbm:s6], $0xF7A  }
0x23: {  	s9 =	sor.u32 $0xD0000000, s2;
	s6 =	simm.s32 $0x108;
	_ =	swait.ge @!p0 [sflag:s8], $0x0  }
0x24: {  	s3 =	sadd.s32 $0x88, s3;
	s6 =	simm.s32 @!p1 $0x1082;
	[sflag:s4] =	ssyncset.s32 $0xFFFFF086  }
0x25: {  	[simem:s6], [sflag:s4] =	dma.local [hbm:s3], $0xF7A  }
0x26: {  	[smem:$0x3F9E] =	sst s1;
	(tag) =	ssettag s2;
	_ =	strace s9  }
0x27: {  	s1 =	sld [smem:$0x3FAE]  }
0x28: {  	s2 =	sld [smem:$0x3FAF]  }
0x29: {  	s4 =	sld [smem:$0x3FB1]  }
0x2a: {  	p0 =	seq.s32 s5, $0x0;
	s5 =	sld [smem:$0x3FB2]  }
0x2b: {  	s6 =	sld [smem:$0x3FB3]  }
0x2c: {  	s7 =	sld [smem:$0x3FB4]  }
0x2d: {  	s3 =	simm.s32 $0x108;
	s8 =	sld [smem:$0x3FB5]  }
0x2e: {  	s3 =	simm.s32 @!p0 $0x1082;
	s9 =	sld [smem:$0x3FB6]  }
0x2f: {  	lr =	sadd.s32 s0, s3;
	s0 =	sld [smem:$0x3FAD]  }
0x30: {  	s3 =	sld [smem:$0x3FB0]  }
0x31: {  	[smem:$0x3FB9] =	sst s10  }
0x32: {  	s10 =	sld [smem:$0x3FB7];
	_ =	sdelay $0x3  }
0x33: {  	p0 =	seq.s32 s10, $0x1;
	s10 =	sld [smem:$0x3FB9];
	_ =	sdelay $0x3  }
0x34: {  	[smem:$0x3FB9] =	sst s10  }
0x35: {  	s10 =	sld [smem:$0x3FB8];
	_ =	sdelay $0x3  }
0x36: {  	p1 =	seq.s32 s10, $0x1;
	s10 =	sld [smem:$0x3FB9];
	_ =	sdelay $0x3  }
0x37: {  	[smem:$0x3FB9] =	sst s10  }
0x38: {  	s10 =	sld [smem:$0x3FBA]  }
0x39: {  	_ = 	snop;
	(pc) =	sbr.ind lr, $3  }
0x3a: {  	_ = 	snop  }
0x3b: {  	_ = 	snop  }
0x3c: {  	p2 =	seq.s32 s10, $0x1;
	s10 =	sld [smem:$0x3FB9]  }
0x3d: {  	_ =	shalt  }
0x3e: {  	_ =	shalt  }
0x3f: {  	_ =	shalt  }
0x40: {  	_ =	shalt  }
0x41: {  	_ =	shalt  }
0x42: {  	_ =	shalt  }
0x43: {  	_ =	shalt  }
0x44: {  	_ =	shalt  }
0x45: {  	_ =	shalt  }
0x46: {  	_ =	shalt  }
0x47: {  	_ =	shalt  }
0x48: {  	_ =	shalt  }
0x49: {  	_ =	shalt  }
0x4a: {  	_ =	shalt  }
0x4b: {  	_ =	shalt  }
0x4c: {  	_ =	shalt  }
0x4d: {  	_ =	shalt  }
0x4e: {  	_ =	shalt  }
0x4f: {  	_ =	shalt  }
0x50: {  	_ =	shalt  }
0x51: {  	_ =	shalt  }
0x52: {  	_ =	shalt  }
0x53: {  	_ =	shalt  }
0x54: {  	_ =	shalt  }
0x55: {  	_ =	shalt  }
0x56: {  	_ =	shalt  }
0x57: {  	_ =	shalt  }
0x58: {  	_ =	shalt  }
0x59: {  	_ =	shalt  }
0x5a: {  	_ =	shalt  }
0x5b: {  	_ =	shalt  }
0x5c: {  	_ =	shalt  }
0x5d: {  	_ =	shalt  }
0x5e: {  	_ =	shalt  }
0x5f: {  	_ =	shalt  }
0x60: {  	_ =	shalt  }
0x61: {  	_ =	shalt  }
0x62: {  	_ =	shalt  }
0x63: {  	_ =	shalt  }
0x64: {  	_ =	shalt  }
0x65: {  	_ =	shalt  }
0x66: {  	_ =	shalt  }
0x67: {  	_ =	shalt  }
0x68: {  	_ =	shalt  }
0x69: {  	_ =	shalt  }
0x6a: {  	_ =	shalt  }
0x6b: {  	_ =	shalt  }
0x6c: {  	_ =	shalt  }
0x6d: {  	_ =	shalt  }
0x6e: {  	_ =	shalt  }
0x6f: {  	_ =	shalt  }
0x70: {  	_ =	shalt  }
0x71: {  	_ =	shalt  }
0x72: {  	_ =	shalt  }
0x73: {  	_ =	shalt  }
0x74: {  	_ =	shalt  }
0x75: {  	_ =	shalt  }
0x76: {  	_ =	shalt  }
0x77: {  	_ =	shalt  }
0x78: {  	_ =	shalt  }
0x79: {  	_ =	shalt  }
0x7a: {  	_ =	shalt  }
0x7b: {  	_ =	shalt  }
0x7c: {  	_ =	shalt  }
0x7d: {  	_ =	shalt  }
0x7e: {  	_ =	shalt  }
0x7f: {  	_ =	shalt  }
0x80: {  	_ =	shalt  }
0x81: {  	_ =	shalt  }
0x82: {  	_ =	shalt  }
0x83: {  	_ =	shalt  }
0x84: {  	_ =	shalt  }
0x85: {  	_ =	shalt  }
0x86: {  	_ =	shalt  }
0x87: {  	_ =	shalt  }
.Lfunc_end0:
.L_simem_size_0:
called_computation_lowered:
.L_overlay_start_0:
0x88: {  	s2 =	sld [smem:$0x3FD9]  }
0x89: {  	s3 =	sld [smem:$0x3FFE];
	_ =	sdelay $0x1  }
0x8a: {  	s1 =	srdreg.scid  }
0x8b: {  	s0 =	sand.u32 $0x1, s1  }
0x8c: {  	s18 =	sshll.u32 s0, $0xA;
	s2 =	sadd.s32 s3, s2  }
0x8d: {  	s2 =	sadd.s32 s2, s18  }
0x8e: {  	[smem:$0x3FC5] =	sst s2  }
0x8f: {  	_ = 	snop  }
0x90: {  	s2 =	sld [smem:$0x3FC9]  }
0x91: {  	s19 =	sld [smem:$0x3FC8]  }
0x92: {  	s4 =	sld [smem:$0x3FC7]  }
0x93: {  	s5 =	sld [smem:$0x3FD0];
	(tm) =	ssettm $0x1  }
0x94: {  	s6 =	sld [smem:$0x3FFB];
	_ =	sdelay $0x3  }
0x95: {  	_ =	strace s6  }
0x96: {  	s6 =	sld [smem:$0x3FFC];
	_ =	sdelay $0x3  }
0x97: {  	_ =	strace s6  }
0x98: {  	s6 =	sld [smem:$0x3FFD];
	_ =	sdelay $0x3  }
0x99: {  	_ =	strace s6  }
0x9a: {  	_ =	strace $0x8FFFFFFF  }
0x9b: {  	s20 =	sld [smem:$0x3FDB];
	_ =	sdelay $0x1  }
0x9c: {  	s7 =	simm.s32 $_scs_section_size  }
0x9d: {  	s8 =	simm.s32 $_size__tile_overlayer_lowered;
	s9 =	simm.s32 $_tile_overlayer_lowered  }
0x9e: {  	s23 =	simm.s32 $0x1BFF;
	s22 =	sshll.u32 s9, $0x1;
	s6 =	sadd.s32 s7, s20  }
0x9f: {  	s10 =	simm.s32 $0x0;
	s21 =	sshll.u32 s8, $0x1;
	s8 =	sadd.s32 s22, s6  }
0xa0: {  	[timem:s10], [sflag:s23] =	dma.local [hbm:s8], s21  }
0xa1: {  	_ =	swait.ge [sflag:s23], s21  }
0xa2: {  	s7 =	ssub.s32 $0x0, s21;
	[sflag:s23] =	ssyncset.done $0x0  }
0xa3: {  	[sflag:s23] =	ssyncadd.s32 s7;
	_ =	sdelay $0x1  }
0xa4: {  	s24 =	simm.s32 $0x1B8B  }
0xa5: {  	_ =	swait.ge [sflag:s24], $0x1  }
0xa6: {  	[sflag:s24] =	ssyncset.done $0x0  }
0xa7: {  	s25 =	simm.s32 $0x1B8E;
	[sflag:s24] =	ssyncadd.s32 $0xFFFFFFFF  }
0xa8: {  	s26 =	simm.s32 $execute0_lowered;
	[smem:$0x3FD2] =	sst s25  }
0xa9: {  	s7 =	sshll.u32 s26, $0x1;
	_ =	strace $0x80000046;
	[dreg:$0x1] =	wrdreg $0xFFFFFFFF  }
0xaa: {  	s28 =	simm.s32 $_size_execute0_lowered;
	s6 =	sadd.s32 s6, s7;
	[dreg:$0x0] =	wrdreg $0x0  }
0xab: {  	s7 =	sshll.u32 s28, $0x1;
	[dreg:$0x2] =	wrdreg s6  }
0xac: {  	[dreg:$0x3] =	wrdreg s7  }
0xad: {  	[dreg:$0x4] =	wrdreg $0xC0  }
0xae: {  	_ =	task [dreg:s10], $0x5FFFF  }
0xaf: {  	[dreg:$0x1] =	wrdreg $0xFFFFFFFF  }
0xb0: {  	[dreg:$0x0] =	wrdreg $0x60  }
0xb1: {  	[dreg:$0x2] =	wrdreg s2  }
0xb2: {  	[dreg:$0x3] =	wrdreg s19  }
0xb3: {  	[dreg:$0x4] =	wrdreg s4  }
0xb4: {  	[dreg:$0x5] =	wrdreg s5  }
0xb5: {  	[dreg:$0x6] =	wrdreg $0x28800  }
0xb6: {  	[dreg:$0x7] =	wrdreg $0x9  }
0xb7: {  	_ =	task.clear_ibuf [dreg:s10], $0x8FFFF;
	_ =	strace $0x90000046  }
0xb8: {  	s29 =	simm.s32 $0x9;
	_ =	strace $0x80000048  }
0xb9: {  	_ =	swait.ge [sflag:s29], $0x1  }
0xba: {  	[sflag:s29] =	ssyncadd.s32 $0xFFFFFFFF  }
0xbb: {  	_ =	strace $0x90000048  }
0xbc: {  	_ =	sfence  }
0xbd: {  	s30 =	sld [smem:$0x0];
	_ =	sdelay $0x2  }
0xbe: {  	s31 =	sshll.u32 s1, $0xD;
	s1 =	sshrl.u32 s1, $0x2  }
0xbf: {  	s3 =	sand.u32 $0x4000, s31;
	s1 =	sadd.s32 s1, s30  }
0xc0: {  	s0 =	sor.u32 s3, s0;
	s1 =	sshll.u32 s1, $0x11  }
0xc1: {  	s0 =	sor.u32 s1, s0  }
0xc2: {  	s0 =	sadd.s32 $0x8F2B, s0  }
0xc3: {  	[sflag:s0] =	ssyncadd.remote.s32 $0x1  }
0xc4: {  	_ =	sfence.sel $0xFFFF  }
0xc5: {  	[dreg:$0x0] =	wrdreg $0xFFFFFFFF;
	(pc) =	sbr.abs _section_cstart, $3  }
0xc6: {  	[dreg:$0x1] =	wrdreg $0xFFFFFFFF  }
0xc7: {  	_ =	task.clear_ibuf [dreg:s10], $0x2FFFF;
	_ =	strace $0x9FFFFFFF  }
0xc8: {  	(tm) =	ssettm $0x7FFFFFFF  }
0xc9: {  	_ =	shalt  }
tec
execute0_lowered:
.L_overlay_start_1:
0x0: {  	(tag) =	ssettag $0x1  }
0x1: {  	s7 =	rddreg [dreg:$0x0]  }
0x2: {  	s1 =	rddreg [dreg:$0x1]  }
0x3: {  	s2 =	rddreg [dreg:$0x2]  }
0x4: {  	s8 =	rddreg [dreg:$0x3]  }
0x5: {  	s3 =	rddreg [dreg:$0x4]  }
0x6: {  	s0 =	rddreg [dreg:$0x5];
	s5 =	simm.s32 $0x0;
	s6 =	srdreg.scid  }
0x7: {  	s4 =	stileid.u32;
	s15 =	simm.s32 $0x10;
	s16 =	simm.s32 $0x0  }
0x8: {  	[smem:$0x7FF] =	sst s5;
	s6 =	sand.u32 $0x1, s6;
	s10 =	smul.u32 $0xA00, s4  }
0x9: {  	s13 =	sshll.u32 s4, $0x6;
	s14 =	smul.u32 $0xA0, s4;
	s9 =	ssub.s32 $0x2, s6  }
0xa: {  	s11 =	sshll.u32 s6, $0x4;
	_ =	strace $0x80000047;
	s6 =	sor.u32 $0x1C01, s13  }
0xb: {  	s30 =	sshrl.u32 s9, $0x1;
	s12 =	sor.u32 s4, s11;
	s10 =	sshrl.u32 s10, $0x2  }
0xc: {  	s31 =	sadd.s32 s8, s11;
	s11 =	simm.s32 $0x2800;
	s12 =	smul.u32 $0x500, s12  }
0xd: {  	s9 =	ssub.s32 s9, s30;
	s10 =	sadd.s32 s10, s3;
	s13 =	sadd.s32 s14, s31  }
0xe: {  	s14 =	simm.s32 $0x20;
	s8 =	smax.u32 s9, $0x1;
	s9 =	sshrl.u32 s10, $0x3  }
0xf: {  	s10 =	simm.s32 $0x1;
	s7 =	sadd.s32 s7, s12;
	s12 =	simm.s32 $0x7D  }
.LBB2_1:
0x10: {  	[spmem:s9], [sflag:s6] =	dma.local [hbm:s2], $0x50  }
0x11: {  	_ =	swait.ge [sflag:s10], $0x50  }
0x12: {  	[sflag:s10] =	ssyncset.done $0x0  }
0x13: {  	[sflag:s10] =	ssyncadd.s32 $0xFFFFFFB0  }
0x14: {  	[tilespmem:s5], [sflag:$0x1] =	stream.linear.gather [hbm4b:s7+s5], $0x2800, $0x38;
	[tilespmem:$0x2B00] =	vst v63  }
0x15: {  	_ =	swait.ge [sflag:s10], $0x2800  }
0x16: {  	[sflag:s10] =	ssyncset.done $0x0  }
0x17: {  	[sflag:s10] =	ssyncadd.s32 $0xFFFFD800  }
0x18: {  	[tilespmem:s11], [sflag:$0x1] =	stream.linear.gather [hbm4b:s1+s5], $0x80, $0x38;
	[tilespmem:$0x2B00] =	vst v63  }
0x19: {  	_ =	swait.ge [sflag:s10], $0x80  }
0x1a: {  	[sflag:s10] =	ssyncset.done $0x0  }
0x1b: {  	[sflag:s10] =	ssyncadd.s32 $0xFFFFFF80  }
0x1c: {  	s17 =	simm.s32 $0x0;
	[bflag:$0x0] =	sbarrier.arrive $0xFFFF  }
0x1d: {  	[spmem:s3] =	stream.indirect.scatter.add.f32 [tilespmem:s11], [sflag:$0x1], $0x1, s17, s12, $0xb8;
	[tilespmem:$0x2B00] =	vst v63  }
0x1e: {  	_ =	swait.ge [sflag:s10], $0x7D  }
0x1f: {  	s17 =	simm.s32 $0x200;
	[sflag:s10] =	ssyncset.done $0x0  }
.LBB2_2:
0x20: {  	s18 =	sshra.s32 s17, $0x2;
	[sflag:s10] =	ssyncadd.s32 $0xFFFFFF83;
	p0 =	sne.s32 s17, $0x9E00  }
0x21: {  	[spmem:s3] =	stream.indirect.scatter.add.f32 [tilespmem:s11], [sflag:$0x1], $0x1, s18, s12, $0xb8;
	[tilespmem:$0x2B00] =	vst v63  }
.Ltmp0:
0x22: {  	_ = 	snop;
	(pc) =	sbr.rel @p0 .LBB2_2-.Ltmp0, $4  }
0x23: {  	_ = 	snop  }
0x24: {  	s17 =	sadd.s32 $0x200, s17  }
0x25: {  	_ =	swait.ge [sflag:s10], $0x7D  }
0x26: {  	[sflag:s10] =	ssyncset.done $0x0  }
0x27: {  	s16 =	sadd.s32 $0x1, s16  }
0x28: {  	[sflag:s10] =	ssyncadd.s32 $0xFFFFFF83;
	p0 =	sne.s32 s16, s8  }
.Ltmp1:
0x29: {  	[bflag:$0x0] =	sbarrier.arrive $0xFFFF;
	(pc) =	sbr.rel @p0 .LBB2_1-.Ltmp1, $4  }
0x2a: {  	[hbm:s13@s14], [sflag:s6] =	dma.strided [spmem:s9@s15], $0x50, s10, $0x10   }
0x2b: {  	_ =	swait.ge [sflag:s10], $0x50  }
0x2c: {  	[sflag:s10] =	ssyncset.done $0x0  }
0x2d: {  	[sflag:s10] =	ssyncadd.s32 $0xFFFFFFB0  }
0x2e: {  	_ =	sfence.sel $0x180000  }
0x2f: {  	[bflag:$0x0] =	sbarrier.arrive $0xFFFF  }
0x30: {  	p0 =	sne.s32 s4, $0x0;
	_ =	strace $0x90000047  }
0x31: {  	s0 =	sadd.s32 @!p0 $0x100000, s0;
	[bflag:$0x2] =	sbarrier.arrive $0xFFFF  }
0x32: {  	[sflag:s0] =	ssyncadd.tile.s32 @!p0 $0x1;
	_ =	shalt  }
.Lfunc_end2:
_tile_overlayer_lowered:
.L_overlay_start_2:
0x33: {  	(tag) =	ssettag $0x2  }
0x34: {  	s0 =	rddreg [dreg:$0x0];
	s2 =	stileid.u32  }
0x35: {  	s1 =	rddreg [dreg:$0x1];
	p0 =	sne.s32 s2, $0x0  }
0x36: {  	s3 =	rddreg [dreg:$0x2];
	[bflag:$0x3] =	sbarrier.arrive $0xFFFF;
	s2 =	simm.s32 @!p0 $0x1C01  }
0x37: {  	[timem:s3], [sflag:s2] =	dma.local @!p0 [hbm:s0], s1  }
0x38: {  	s0 =	simm.s32 @!p0 $0x1  }
0x39: {  	_ =	swait.ge @!p0 [sflag:s0], s1  }
0x3a: {  	s1 =	ssub.s32 @!p0 $0x0, s1;
	[sflag:s0] =	ssyncset.done @!p0 $0x0  }
0x3b: {  	[sflag:s0] =	ssyncadd.s32 @!p0 s1  }
0x3c: {  	[bflag:$0x3] =	sbarrier.arrive $0xFFFF  }
0x3d: {  	_ =	shalt  }

</sc_bundles>
